<compile_context>
chip_gen: v7x
topology: tpu7x:2x2x1
jax: 0.10.2.dev20260603
libtpu: 0.0.44.dev20260713+nightly
codegen_flags: <defaults>
</compile_context>

<pallas_src>
import functools

import jax
import jax.numpy as jnp
from jax import lax
from jax.experimental import pallas as pl
from jax.experimental.pallas import tpu as pltpu
from jax.experimental.pallas import tpu_sc as plsc

EMB = 10


@functools.lru_cache(maxsize=None)
def _build(B, C):
    info = plsc.get_sparse_core_info()
    assert B % (8 * info.num_cores) == 0
    cpc = B // info.num_cores

    @functools.partial(
        pl.kernel,
        mesh=plsc.ScalarSubcoreMesh(axis_name="c"),
        out_type=jax.ShapeDtypeStruct((EMB, B), jnp.int32),
        scratch_types=[
            pltpu.VMEM_SHARED((cpc,), jnp.int32),
            pltpu.SemaphoreType.DMA,
        ],
        compiler_params=pltpu.CompilerParams(
            needs_layout_passes=False,
            skip_device_barrier=True,
            disable_bounds_checks=True,
            disable_semaphore_checks=True,
        ),
    )
    def run(in_hbm, out_hbm, col_v, sem):
        cb = lax.axis_index("c") * cpc
        pltpu.sync_copy(in_hbm.at[0, pl.ds(cb, cpc)], col_v)
        cps = [
            pltpu.async_copy(col_v, out_hbm.at[j, pl.ds(cb, cpc)], sem)
            for j in range(EMB)
        ]
        for cp in cps:
            cp.wait()

    return run


def kernel(inputs):
    B, C = inputs.shape
    return _build(B, C)(inputs.astype(jnp.int32).T).T

# --- scband reference (transcript-rebuilt; emitter-appended) ---
"""Pipeline reference for scband-embedding-model-7499012899305 (READ-ONLY COPY).

The authoritative reference and input builder live on the scoring server;
editing this copy changes nothing except your own understanding.
"""

import jax, jax.numpy as jnp
import numpy as np

EMBEDDING_SIZE = 10

def setup_inputs(seed: int = 0) -> dict:
    key = jax.random.key(seed)
    inputs = jax.random.randint(key, (16384, 26), 0, 1000000, dtype=jnp.int64) if jax.config.jax_enable_x64 else jax.random.randint(key, (16384, 26), 0, 1000000, dtype=jnp.int32)
    return {"inputs": inputs}

def reference(inputs):
    # Faithful translation: for each row i, take inputs[i][0] and repeat it
    # EMBEDDING_SIZE times -> output shape [B, EMBEDDING_SIZE], integer dtype.
    first_col = inputs[:, 0:1]              # gather column 0: [B, 1]
    out = jnp.tile(first_col, (1, EMBEDDING_SIZE))  # broadcast to [B, 10]
    return out

if __name__ == "__main__":
    import jax
    _d = setup_inputs()
    print(jax.jit(kernel)(*tuple(_d.values())))

</pallas_src>

<mosaic_0001>
#map = affine_map<(d0) -> (0, 0)>
module attributes {stable_mosaic.version = 14 : i64} {
  func.func @run(%arg0: i32, %arg1: memref<26x16384xi32, #tpu.memory_space<hbm>>, %arg2: memref<10x16384xi32, #tpu.memory_space<hbm>>, %arg3: memref<8192xi32, #tpu.memory_space<vmem_shared>>, %arg4: memref<!tpu.dma_semaphore, #tpu.memory_space<semaphore_mem>>) attributes {dimension_semantics = [#tpu.dimension_semantics<core_parallel>], iteration_bounds = array<i64: 2>, scalar_prefetch = 0 : i64, scratch_operands = 2 : i64, tpu.core_type = #tpu.core_type<sc_scalar_subcore>, window_params = [{transform_indices = #map}, {transform_indices = #map}]} {
    %mul3A = arith.constant 8192 : i32
    %mul3A_0 = arith.muli %arg0, %mul3A : i32
    %run_scoped3A = arith.constant 0 : i32
    "tpu.region"() ({
      %run_scoped3A_59 = tpu.sem_alloc : memref<!tpu.dma_semaphore, #tpu.memory_space<semaphore_mem>>
      %dma_start3A_60 = tpu.memref_slice %arg1[%run_scoped3A, %mul3A_0] : memref<26x16384xi32, #tpu.memory_space<hbm>> -> memref<1x8192xi32, #tpu.memory_space<hbm>>
      %dma_start3A_61 = tpu.memref_squeeze %dma_start3A_60 : memref<1x8192xi32, #tpu.memory_space<hbm>> -> memref<8192xi32, #tpu.memory_space<hbm>>
      tpu.enqueue_dma source(%dma_start3A_61 : memref<8192xi32, #tpu.memory_space<hbm>>) target(%arg3 : memref<8192xi32, #tpu.memory_space<vmem_shared>>) target_semaphore(%run_scoped3A_59 : memref<!tpu.dma_semaphore, #tpu.memory_space<semaphore_mem>>)
      %dma_wait3A_62 = tpu.memref_slice %arg1[%run_scoped3A, %mul3A_0] : memref<26x16384xi32, #tpu.memory_space<hbm>> -> memref<1x8192xi32, #tpu.memory_space<hbm>>
      %dma_wait3A_63 = tpu.memref_squeeze %dma_wait3A_62 : memref<1x8192xi32, #tpu.memory_space<hbm>> -> memref<8192xi32, #tpu.memory_space<hbm>>
      tpu.wait_dma2 semaphore(%run_scoped3A_59 : memref<!tpu.dma_semaphore, #tpu.memory_space<semaphore_mem>>) src(%dma_wait3A_63 : memref<8192xi32, #tpu.memory_space<hbm>>) dst(%arg3 : memref<8192xi32, #tpu.memory_space<vmem_shared>>)
      tpu.yield
    }) : () -> ()
    %dma_start3A = arith.constant 0 : i32
    %dma_start3A_1 = tpu.memref_slice %arg2[%dma_start3A, %mul3A_0] : memref<10x16384xi32, #tpu.memory_space<hbm>> -> memref<1x8192xi32, #tpu.memory_space<hbm>>
    %dma_start3A_2 = tpu.memref_squeeze %dma_start3A_1 : memref<1x8192xi32, #tpu.memory_space<hbm>> -> memref<8192xi32, #tpu.memory_space<hbm>>
    tpu.enqueue_dma source(%arg3 : memref<8192xi32, #tpu.memory_space<vmem_shared>>) target(%dma_start3A_2 : memref<8192xi32, #tpu.memory_space<hbm>>) target_semaphore(%arg4 : memref<!tpu.dma_semaphore, #tpu.memory_space<semaphore_mem>>)
    %dma_start3A_3 = arith.constant 1 : i32
    %dma_start3A_4 = tpu.memref_slice %arg2[%dma_start3A_3, %mul3A_0] : memref<10x16384xi32, #tpu.memory_space<hbm>> -> memref<1x8192xi32, #tpu.memory_space<hbm>>
    %dma_start3A_5 = tpu.memref_squeeze %dma_start3A_4 : memref<1x8192xi32, #tpu.memory_space<hbm>> -> memref<8192xi32, #tpu.memory_space<hbm>>
    tpu.enqueue_dma source(%arg3 : memref<8192xi32, #tpu.memory_space<vmem_shared>>) target(%dma_start3A_5 : memref<8192xi32, #tpu.memory_space<hbm>>) target_semaphore(%arg4 : memref<!tpu.dma_semaphore, #tpu.memory_space<semaphore_mem>>)
    %dma_start3A_6 = arith.constant 2 : i32
    %dma_start3A_7 = tpu.memref_slice %arg2[%dma_start3A_6, %mul3A_0] : memref<10x16384xi32, #tpu.memory_space<hbm>> -> memref<1x8192xi32, #tpu.memory_space<hbm>>
    %dma_start3A_8 = tpu.memref_squeeze %dma_start3A_7 : memref<1x8192xi32, #tpu.memory_space<hbm>> -> memref<8192xi32, #tpu.memory_space<hbm>>
    tpu.enqueue_dma source(%arg3 : memref<8192xi32, #tpu.memory_space<vmem_shared>>) target(%dma_start3A_8 : memref<8192xi32, #tpu.memory_space<hbm>>) target_semaphore(%arg4 : memref<!tpu.dma_semaphore, #tpu.memory_space<semaphore_mem>>)
    %dma_start3A_9 = arith.constant 3 : i32
    %dma_start3A_10 = tpu.memref_slice %arg2[%dma_start3A_9, %mul3A_0] : memref<10x16384xi32, #tpu.memory_space<hbm>> -> memref<1x8192xi32, #tpu.memory_space<hbm>>
    %dma_start3A_11 = tpu.memref_squeeze %dma_start3A_10 : memref<1x8192xi32, #tpu.memory_space<hbm>> -> memref<8192xi32, #tpu.memory_space<hbm>>
    tpu.enqueue_dma source(%arg3 : memref<8192xi32, #tpu.memory_space<vmem_shared>>) target(%dma_start3A_11 : memref<8192xi32, #tpu.memory_space<hbm>>) target_semaphore(%arg4 : memref<!tpu.dma_semaphore, #tpu.memory_space<semaphore_mem>>)
    %dma_start3A_12 = arith.constant 4 : i32
    %dma_start3A_13 = tpu.memref_slice %arg2[%dma_start3A_12, %mul3A_0] : memref<10x16384xi32, #tpu.memory_space<hbm>> -> memref<1x8192xi32, #tpu.memory_space<hbm>>
    %dma_start3A_14 = tpu.memref_squeeze %dma_start3A_13 : memref<1x8192xi32, #tpu.memory_space<hbm>> -> memref<8192xi32, #tpu.memory_space<hbm>>
    tpu.enqueue_dma source(%arg3 : memref<8192xi32, #tpu.memory_space<vmem_shared>>) target(%dma_start3A_14 : memref<8192xi32, #tpu.memory_space<hbm>>) target_semaphore(%arg4 : memref<!tpu.dma_semaphore, #tpu.memory_space<semaphore_mem>>)
    %dma_start3A_15 = arith.constant 5 : i32
    %dma_start3A_16 = tpu.memref_slice %arg2[%dma_start3A_15, %mul3A_0] : memref<10x16384xi32, #tpu.memory_space<hbm>> -> memref<1x8192xi32, #tpu.memory_space<hbm>>
    %dma_start3A_17 = tpu.memref_squeeze %dma_start3A_16 : memref<1x8192xi32, #tpu.memory_space<hbm>> -> memref<8192xi32, #tpu.memory_space<hbm>>
    tpu.enqueue_dma source(%arg3 : memref<8192xi32, #tpu.memory_space<vmem_shared>>) target(%dma_start3A_17 : memref<8192xi32, #tpu.memory_space<hbm>>) target_semaphore(%arg4 : memref<!tpu.dma_semaphore, #tpu.memory_space<semaphore_mem>>)
    %dma_start3A_18 = arith.constant 6 : i32
    %dma_start3A_19 = tpu.memref_slice %arg2[%dma_start3A_18, %mul3A_0] : memref<10x16384xi32, #tpu.memory_space<hbm>> -> memref<1x8192xi32, #tpu.memory_space<hbm>>
    %dma_start3A_20 = tpu.memref_squeeze %dma_start3A_19 : memref<1x8192xi32, #tpu.memory_space<hbm>> -> memref<8192xi32, #tpu.memory_space<hbm>>
    tpu.enqueue_dma source(%arg3 : memref<8192xi32, #tpu.memory_space<vmem_shared>>) target(%dma_start3A_20 : memref<8192xi32, #tpu.memory_space<hbm>>) target_semaphore(%arg4 : memref<!tpu.dma_semaphore, #tpu.memory_space<semaphore_mem>>)
    %dma_start3A_21 = arith.constant 7 : i32
    %dma_start3A_22 = tpu.memref_slice %arg2[%dma_start3A_21, %mul3A_0] : memref<10x16384xi32, #tpu.memory_space<hbm>> -> memref<1x8192xi32, #tpu.memory_space<hbm>>
    %dma_start3A_23 = tpu.memref_squeeze %dma_start3A_22 : memref<1x8192xi32, #tpu.memory_space<hbm>> -> memref<8192xi32, #tpu.memory_space<hbm>>
    tpu.enqueue_dma source(%arg3 : memref<8192xi32, #tpu.memory_space<vmem_shared>>) target(%dma_start3A_23 : memref<8192xi32, #tpu.memory_space<hbm>>) target_semaphore(%arg4 : memref<!tpu.dma_semaphore, #tpu.memory_space<semaphore_mem>>)
    %dma_start3A_24 = arith.constant 8 : i32
    %dma_start3A_25 = tpu.memref_slice %arg2[%dma_start3A_24, %mul3A_0] : memref<10x16384xi32, #tpu.memory_space<hbm>> -> memref<1x8192xi32, #tpu.memory_space<hbm>>
    %dma_start3A_26 = tpu.memref_squeeze %dma_start3A_25 : memref<1x8192xi32, #tpu.memory_space<hbm>> -> memref<8192xi32, #tpu.memory_space<hbm>>
    tpu.enqueue_dma source(%arg3 : memref<8192xi32, #tpu.memory_space<vmem_shared>>) target(%dma_start3A_26 : memref<8192xi32, #tpu.memory_space<hbm>>) target_semaphore(%arg4 : memref<!tpu.dma_semaphore, #tpu.memory_space<semaphore_mem>>)
    %dma_start3A_27 = arith.constant 9 : i32
    %dma_start3A_28 = tpu.memref_slice %arg2[%dma_start3A_27, %mul3A_0] : memref<10x16384xi32, #tpu.memory_space<hbm>> -> memref<1x8192xi32, #tpu.memory_space<hbm>>
    %dma_start3A_29 = tpu.memref_squeeze %dma_start3A_28 : memref<1x8192xi32, #tpu.memory_space<hbm>> -> memref<8192xi32, #tpu.memory_space<hbm>>
    tpu.enqueue_dma source(%arg3 : memref<8192xi32, #tpu.memory_space<vmem_shared>>) target(%dma_start3A_29 : memref<8192xi32, #tpu.memory_space<hbm>>) target_semaphore(%arg4 : memref<!tpu.dma_semaphore, #tpu.memory_space<semaphore_mem>>)
    %dma_wait3A = arith.constant 0 : i32
    %dma_wait3A_30 = tpu.memref_slice %arg2[%dma_wait3A, %mul3A_0] : memref<10x16384xi32, #tpu.memory_space<hbm>> -> memref<1x8192xi32, #tpu.memory_space<hbm>>
    %dma_wait3A_31 = tpu.memref_squeeze %dma_wait3A_30 : memref<1x8192xi32, #tpu.memory_space<hbm>> -> memref<8192xi32, #tpu.memory_space<hbm>>
    tpu.wait_dma2 semaphore(%arg4 : memref<!tpu.dma_semaphore, #tpu.memory_space<semaphore_mem>>) src(%arg3 : memref<8192xi32, #tpu.memory_space<vmem_shared>>) dst(%dma_wait3A_31 : memref<8192xi32, #tpu.memory_space<hbm>>)
    %dma_wait3A_32 = arith.constant 1 : i32
    %dma_wait3A_33 = tpu.memref_slice %arg2[%dma_wait3A_32, %mul3A_0] : memref<10x16384xi32, #tpu.memory_space<hbm>> -> memref<1x8192xi32, #tpu.memory_space<hbm>>
    %dma_wait3A_34 = tpu.memref_squeeze %dma_wait3A_33 : memref<1x8192xi32, #tpu.memory_space<hbm>> -> memref<8192xi32, #tpu.memory_space<hbm>>
    tpu.wait_dma2 semaphore(%arg4 : memref<!tpu.dma_semaphore, #tpu.memory_space<semaphore_mem>>) src(%arg3 : memref<8192xi32, #tpu.memory_space<vmem_shared>>) dst(%dma_wait3A_34 : memref<8192xi32, #tpu.memory_space<hbm>>)
    %dma_wait3A_35 = arith.constant 2 : i32
    %dma_wait3A_36 = tpu.memref_slice %arg2[%dma_wait3A_35, %mul3A_0] : memref<10x16384xi32, #tpu.memory_space<hbm>> -> memref<1x8192xi32, #tpu.memory_space<hbm>>
    %dma_wait3A_37 = tpu.memref_squeeze %dma_wait3A_36 : memref<1x8192xi32, #tpu.memory_space<hbm>> -> memref<8192xi32, #tpu.memory_space<hbm>>
    tpu.wait_dma2 semaphore(%arg4 : memref<!tpu.dma_semaphore, #tpu.memory_space<semaphore_mem>>) src(%arg3 : memref<8192xi32, #tpu.memory_space<vmem_shared>>) dst(%dma_wait3A_37 : memref<8192xi32, #tpu.memory_space<hbm>>)
    %dma_wait3A_38 = arith.constant 3 : i32
    %dma_wait3A_39 = tpu.memref_slice %arg2[%dma_wait3A_38, %mul3A_0] : memref<10x16384xi32, #tpu.memory_space<hbm>> -> memref<1x8192xi32, #tpu.memory_space<hbm>>
    %dma_wait3A_40 = tpu.memref_squeeze %dma_wait3A_39 : memref<1x8192xi32, #tpu.memory_space<hbm>> -> memref<8192xi32, #tpu.memory_space<hbm>>
    tpu.wait_dma2 semaphore(%arg4 : memref<!tpu.dma_semaphore, #tpu.memory_space<semaphore_mem>>) src(%arg3 : memref<8192xi32, #tpu.memory_space<vmem_shared>>) dst(%dma_wait3A_40 : memref<8192xi32, #tpu.memory_space<hbm>>)
    %dma_wait3A_41 = arith.constant 4 : i32
    %dma_wait3A_42 = tpu.memref_slice %arg2[%dma_wait3A_41, %mul3A_0] : memref<10x16384xi32, #tpu.memory_space<hbm>> -> memref<1x8192xi32, #tpu.memory_space<hbm>>
    %dma_wait3A_43 = tpu.memref_squeeze %dma_wait3A_42 : memref<1x8192xi32, #tpu.memory_space<hbm>> -> memref<8192xi32, #tpu.memory_space<hbm>>
    tpu.wait_dma2 semaphore(%arg4 : memref<!tpu.dma_semaphore, #tpu.memory_space<semaphore_mem>>) src(%arg3 : memref<8192xi32, #tpu.memory_space<vmem_shared>>) dst(%dma_wait3A_43 : memref<8192xi32, #tpu.memory_space<hbm>>)
    %dma_wait3A_44 = arith.constant 5 : i32
    %dma_wait3A_45 = tpu.memref_slice %arg2[%dma_wait3A_44, %mul3A_0] : memref<10x16384xi32, #tpu.memory_space<hbm>> -> memref<1x8192xi32, #tpu.memory_space<hbm>>
    %dma_wait3A_46 = tpu.memref_squeeze %dma_wait3A_45 : memref<1x8192xi32, #tpu.memory_space<hbm>> -> memref<8192xi32, #tpu.memory_space<hbm>>
    tpu.wait_dma2 semaphore(%arg4 : memref<!tpu.dma_semaphore, #tpu.memory_space<semaphore_mem>>) src(%arg3 : memref<8192xi32, #tpu.memory_space<vmem_shared>>) dst(%dma_wait3A_46 : memref<8192xi32, #tpu.memory_space<hbm>>)
    %dma_wait3A_47 = arith.constant 6 : i32
    %dma_wait3A_48 = tpu.memref_slice %arg2[%dma_wait3A_47, %mul3A_0] : memref<10x16384xi32, #tpu.memory_space<hbm>> -> memref<1x8192xi32, #tpu.memory_space<hbm>>
    %dma_wait3A_49 = tpu.memref_squeeze %dma_wait3A_48 : memref<1x8192xi32, #tpu.memory_space<hbm>> -> memref<8192xi32, #tpu.memory_space<hbm>>
    tpu.wait_dma2 semaphore(%arg4 : memref<!tpu.dma_semaphore, #tpu.memory_space<semaphore_mem>>) src(%arg3 : memref<8192xi32, #tpu.memory_space<vmem_shared>>) dst(%dma_wait3A_49 : memref<8192xi32, #tpu.memory_space<hbm>>)
    %dma_wait3A_50 = arith.constant 7 : i32
    %dma_wait3A_51 = tpu.memref_slice %arg2[%dma_wait3A_50, %mul3A_0] : memref<10x16384xi32, #tpu.memory_space<hbm>> -> memref<1x8192xi32, #tpu.memory_space<hbm>>
    %dma_wait3A_52 = tpu.memref_squeeze %dma_wait3A_51 : memref<1x8192xi32, #tpu.memory_space<hbm>> -> memref<8192xi32, #tpu.memory_space<hbm>>
    tpu.wait_dma2 semaphore(%arg4 : memref<!tpu.dma_semaphore, #tpu.memory_space<semaphore_mem>>) src(%arg3 : memref<8192xi32, #tpu.memory_space<vmem_shared>>) dst(%dma_wait3A_52 : memref<8192xi32, #tpu.memory_space<hbm>>)
    %dma_wait3A_53 = arith.constant 8 : i32
    %dma_wait3A_54 = tpu.memref_slice %arg2[%dma_wait3A_53, %mul3A_0] : memref<10x16384xi32, #tpu.memory_space<hbm>> -> memref<1x8192xi32, #tpu.memory_space<hbm>>
    %dma_wait3A_55 = tpu.memref_squeeze %dma_wait3A_54 : memref<1x8192xi32, #tpu.memory_space<hbm>> -> memref<8192xi32, #tpu.memory_space<hbm>>
    tpu.wait_dma2 semaphore(%arg4 : memref<!tpu.dma_semaphore, #tpu.memory_space<semaphore_mem>>) src(%arg3 : memref<8192xi32, #tpu.memory_space<vmem_shared>>) dst(%dma_wait3A_55 : memref<8192xi32, #tpu.memory_space<hbm>>)
    %dma_wait3A_56 = arith.constant 9 : i32
    %dma_wait3A_57 = tpu.memref_slice %arg2[%dma_wait3A_56, %mul3A_0] : memref<10x16384xi32, #tpu.memory_space<hbm>> -> memref<1x8192xi32, #tpu.memory_space<hbm>>
    %dma_wait3A_58 = tpu.memref_squeeze %dma_wait3A_57 : memref<1x8192xi32, #tpu.memory_space<hbm>> -> memref<8192xi32, #tpu.memory_space<hbm>>
    tpu.wait_dma2 semaphore(%arg4 : memref<!tpu.dma_semaphore, #tpu.memory_space<semaphore_mem>>) src(%arg3 : memref<8192xi32, #tpu.memory_space<vmem_shared>>) dst(%dma_wait3A_58 : memref<8192xi32, #tpu.memory_space<hbm>>)
    return
  }
}

</mosaic_0001>

<sc_bundles>
// kernel: kernel.3.cloned.1.call-start
scs
__scs_entry_jumppad:
0x0: {  	(pc) =	sbr.rel $0x88, $3  }
0x1: {  	(tag) =	ssettag $0x0;
	lr =	simm.s32 $0x1  }
0x2: {  	[smem:$0x3FA0] =	sst lr;
	_ =	strace $0xD0000000  }
0x3: {  	_ = 	snop  }
0x4: {  	_ = 	snop  }
0x5: {  	_ = 	snop  }
0x6: {  	_ = 	snop  }
0x7: {  	_ = 	snop  }
__scs_overlays_trampoline_lowered:
0x8: {  	[smem:$0x3FAF] =	sst s0  }
0x9: {  	[smem:$0x3FB0] =	sst s1  }
0xa: {  	[smem:$0x3FB1] =	sst s2  }
0xb: {  	[smem:$0x3FB2] =	sst s3  }
0xc: {  	[smem:$0x3FB3] =	sst s4  }
0xd: {  	[smem:$0x3FB4] =	sst s5  }
0xe: {  	[smem:$0x3FB5] =	sst s6  }
0xf: {  	[smem:$0x3FB6] =	sst s7  }
0x10: {  	[smem:$0x3FB7] =	sst s8  }
0x11: {  	[smem:$0x3FB8] =	sst s9;
	s0 =	simm.s32 @!p0 $0x0  }
0x12: {  	s1 =	sld [smem:$0x3F9E];
	s0 =	simm.s32 @p0 $0x1  }
0x13: {  	[smem:$0x3FB9] =	sst s0;
	s0 =	simm.s32 @!p1 $0x0  }
0x14: {  	s2 =	sld [smem:$0x3F9D];
	s0 =	simm.s32 @p1 $0x1  }
0x15: {  	[smem:$0x3FBA] =	sst s0;
	s0 =	simm.s32 @!p2 $0x0  }
0x16: {  	s3 =	sld [smem:$0x3FDB];
	s0 =	simm.s32 @p2 $0x1  }
0x17: {  	s4 =	simm.s32 $0x1BF5;
	[smem:$0x3FBC] =	sst s0  }
0x18: {  	s0 =	sld [smem:$0x3F9F];
	_ =	swait.ge [sflag:s4], $0x0  }
0x19: {  	s7 =	sld [smem:$0x3FA0]  }
0x1a: {  	s8 =	sadd.s32 $0xFFFFE003, lr  }
0x1b: {  	s9 =	sadd.s32 $0xFFFFFEF7, lr;
	s5 =	simm.s32 $0xFFFFFFFF;
	p2 =	slt.u32 s8, $0xFFFFF086  }
0x1c: {  	p1 =	slt.u32 s9, $0xF7A;
	s5 =	simm.s32 @!p2 $0x0  }
0x1d: {  	s5 =	simm.s32 @p1 $0x1;
	p0 =	seq.s32 s7, s2  }
0x1e: {  	s7 =	smul.u32 @!p0 $0xF7A, s2;
	p2 =	seq.s32 @!p0 s5, $0x0  }
0x1f: {  	s9 =	smul.u32 $0xF7A, s1;
	s8 =	simm.s32 @!p0 $0x1BF5;
	p2 =	por !p2, p0  }
0x20: {  	[sflag:s8] =	ssyncset.s32 @!p0 $0xFFFFF086;
	s6 =	sadd.s32 @!p0 s3, s7;
	s7 =	simm.s32 @!p0 $0x108  }
0x21: {  	s3 =	sadd.s32 s3, s9;
	s6 =	sadd.s32 @!p0 $0x88, s6;
	s7 =	simm.s32 @p2 $0x1082  }
0x22: {  	[simem:s7], [sflag:s8] =	dma.local @!p0 [hbm:s6], $0xF7A  }
0x23: {  	s9 =	sor.u32 $0xD0000000, s2;
	s6 =	simm.s32 $0x108;
	_ =	swait.ge @!p0 [sflag:s8], $0x0  }
0x24: {  	s3 =	sadd.s32 $0x88, s3;
	s6 =	simm.s32 @!p1 $0x1082;
	[sflag:s4] =	ssyncset.s32 $0xFFFFF086  }
0x25: {  	[simem:s6], [sflag:s4] =	dma.local [hbm:s3], $0xF7A  }
0x26: {  	[smem:$0x3FA0] =	sst s1;
	(tag) =	ssettag s2;
	_ =	strace s9  }
0x27: {  	s1 =	sld [smem:$0x3FB0]  }
0x28: {  	s2 =	sld [smem:$0x3FB1]  }
0x29: {  	s4 =	sld [smem:$0x3FB3]  }
0x2a: {  	p0 =	seq.s32 s5, $0x0;
	s5 =	sld [smem:$0x3FB4]  }
0x2b: {  	s6 =	sld [smem:$0x3FB5]  }
0x2c: {  	s7 =	sld [smem:$0x3FB6]  }
0x2d: {  	s3 =	simm.s32 $0x108;
	s8 =	sld [smem:$0x3FB7]  }
0x2e: {  	s3 =	simm.s32 @!p0 $0x1082;
	s9 =	sld [smem:$0x3FB8]  }
0x2f: {  	lr =	sadd.s32 s0, s3;
	s0 =	sld [smem:$0x3FAF]  }
0x30: {  	s3 =	sld [smem:$0x3FB2]  }
0x31: {  	[smem:$0x3FBB] =	sst s10  }
0x32: {  	s10 =	sld [smem:$0x3FB9];
	_ =	sdelay $0x3  }
0x33: {  	p0 =	seq.s32 s10, $0x1;
	s10 =	sld [smem:$0x3FBB];
	_ =	sdelay $0x3  }
0x34: {  	[smem:$0x3FBB] =	sst s10  }
0x35: {  	s10 =	sld [smem:$0x3FBA];
	_ =	sdelay $0x3  }
0x36: {  	p1 =	seq.s32 s10, $0x1;
	s10 =	sld [smem:$0x3FBB];
	_ =	sdelay $0x3  }
0x37: {  	[smem:$0x3FBB] =	sst s10  }
0x38: {  	s10 =	sld [smem:$0x3FBC]  }
0x39: {  	_ = 	snop;
	(pc) =	sbr.ind lr, $3  }
0x3a: {  	_ = 	snop  }
0x3b: {  	_ = 	snop  }
0x3c: {  	p2 =	seq.s32 s10, $0x1;
	s10 =	sld [smem:$0x3FBB]  }
0x3d: {  	_ =	shalt  }
0x3e: {  	_ =	shalt  }
0x3f: {  	_ =	shalt  }
0x40: {  	_ =	shalt  }
0x41: {  	_ =	shalt  }
0x42: {  	_ =	shalt  }
0x43: {  	_ =	shalt  }
0x44: {  	_ =	shalt  }
0x45: {  	_ =	shalt  }
0x46: {  	_ =	shalt  }
0x47: {  	_ =	shalt  }
0x48: {  	_ =	shalt  }
0x49: {  	_ =	shalt  }
0x4a: {  	_ =	shalt  }
0x4b: {  	_ =	shalt  }
0x4c: {  	_ =	shalt  }
0x4d: {  	_ =	shalt  }
0x4e: {  	_ =	shalt  }
0x4f: {  	_ =	shalt  }
0x50: {  	_ =	shalt  }
0x51: {  	_ =	shalt  }
0x52: {  	_ =	shalt  }
0x53: {  	_ =	shalt  }
0x54: {  	_ =	shalt  }
0x55: {  	_ =	shalt  }
0x56: {  	_ =	shalt  }
0x57: {  	_ =	shalt  }
0x58: {  	_ =	shalt  }
0x59: {  	_ =	shalt  }
0x5a: {  	_ =	shalt  }
0x5b: {  	_ =	shalt  }
0x5c: {  	_ =	shalt  }
0x5d: {  	_ =	shalt  }
0x5e: {  	_ =	shalt  }
0x5f: {  	_ =	shalt  }
0x60: {  	_ =	shalt  }
0x61: {  	_ =	shalt  }
0x62: {  	_ =	shalt  }
0x63: {  	_ =	shalt  }
0x64: {  	_ =	shalt  }
0x65: {  	_ =	shalt  }
0x66: {  	_ =	shalt  }
0x67: {  	_ =	shalt  }
0x68: {  	_ =	shalt  }
0x69: {  	_ =	shalt  }
0x6a: {  	_ =	shalt  }
0x6b: {  	_ =	shalt  }
0x6c: {  	_ =	shalt  }
0x6d: {  	_ =	shalt  }
0x6e: {  	_ =	shalt  }
0x6f: {  	_ =	shalt  }
0x70: {  	_ =	shalt  }
0x71: {  	_ =	shalt  }
0x72: {  	_ =	shalt  }
0x73: {  	_ =	shalt  }
0x74: {  	_ =	shalt  }
0x75: {  	_ =	shalt  }
0x76: {  	_ =	shalt  }
0x77: {  	_ =	shalt  }
0x78: {  	_ =	shalt  }
0x79: {  	_ =	shalt  }
0x7a: {  	_ =	shalt  }
0x7b: {  	_ =	shalt  }
0x7c: {  	_ =	shalt  }
0x7d: {  	_ =	shalt  }
0x7e: {  	_ =	shalt  }
0x7f: {  	_ =	shalt  }
0x80: {  	_ =	shalt  }
0x81: {  	_ =	shalt  }
0x82: {  	_ =	shalt  }
0x83: {  	_ =	shalt  }
0x84: {  	_ =	shalt  }
0x85: {  	_ =	shalt  }
0x86: {  	_ =	shalt  }
0x87: {  	_ =	shalt  }
.Lfunc_end0:
.L_simem_size_0:
called_computation_lowered:
.L_overlay_start_0:
0x88: {  	s2 =	sld [smem:$0x3FD9]  }
0x89: {  	s3 =	sld [smem:$0x3FFE];
	_ =	sdelay $0x1  }
0x8a: {  	s1 =	srdreg.scid  }
0x8b: {  	s0 =	sand.u32 $0x1, s1  }
0x8c: {  	s15 =	sshll.u32 s0, $0xA;
	s2 =	sadd.s32 s3, s2  }
0x8d: {  	s2 =	sadd.s32 s2, s15  }
0x8e: {  	s4 =	simm.s32 $0x0;
	[smem:$0x3FC7] =	sst s2  }
0x8f: {  	[smem:$0xF] =	sst s4  }
0x90: {  	s2 =	sld [smem:$0x3FC9]  }
0x91: {  	s16 =	sld [smem:$0x3FD0];
	(tm) =	ssettm $0x1  }
0x92: {  	s5 =	sld [smem:$0x3FFB];
	_ =	sdelay $0x3  }
0x93: {  	_ =	strace s5  }
0x94: {  	s5 =	sld [smem:$0x3FFC];
	_ =	sdelay $0x3  }
0x95: {  	_ =	strace s5  }
0x96: {  	s5 =	sld [smem:$0x3FFD];
	_ =	sdelay $0x3  }
0x97: {  	s17 =	simm.s32 $0x1B8B;
	_ =	strace s5  }
0x98: {  	s18 =	simm.s32 $0x1B8E;
	s6 =	simm.s32 $0x1;
	_ =	strace $0x8FFFFFFF  }
0x99: {  	s7 =	simm.s32 $0x10;
	s8 =	simm.s32 $0x80;
	_ =	swait.ge [sflag:s17], $0x1  }
0x9a: {  	s9 =	simm.s32 $0xA;
	s19 =	sshll.u32 s0, $0xD;
	[sflag:s17] =	ssyncset.done $0x0  }
0x9b: {  	s21 =	simm.s32 $0x9;
	s20 =	sadd.s32 s19, s16;
	[sflag:s17] =	ssyncadd.s32 $0xFFFFFFFF  }
0x9c: {  	s2 =	sadd.s32 s19, s2;
	s22 =	sadd.s32 $0x20, s20;
	[smem:$0x3FD2] =	sst s18  }
0x9d: {  	s23 =	sadd.s32 $0x30, s20;
	s24 =	sadd.s32 $0x40, s20;
	_ =	strace $0x80000046  }
0x9e: {  	[spmem:s4@s7], [sflag:s9] =	dma.strided [hbm:s2@s8], $0x400, s6, $0x10   }
0x9f: {  	s25 =	sadd.s32 $0x50, s20;
	s26 =	sadd.s32 $0x60, s20;
	_ =	swait.ge [sflag:s9], $0x400  }
0xa0: {  	s28 =	sadd.s32 $0x70, s20;
	s29 =	sadd.s32 $0x4000, s20;
	[sflag:s9] =	ssyncset.done $0x0  }
0xa1: {  	s5 =	sadd.s32 $0x10, s20;
	s2 =	sadd.s32 $0x4010, s20;
	[sflag:s9] =	ssyncadd.s32 $0xFFFFFC00  }
0xa2: {  	[hbm:s20@s8], [sflag:s21] =	dma.strided [spmem:s4@s7], $0x400, s6, $0x10   }
0xa3: {  	[hbm:s5@s8], [sflag:s21] =	dma.strided [spmem:s4@s7], $0x400, s6, $0x10   }
0xa4: {  	[hbm:s22@s8], [sflag:s21] =	dma.strided [spmem:s4@s7], $0x400, s6, $0x10   }
0xa5: {  	[hbm:s23@s8], [sflag:s21] =	dma.strided [spmem:s4@s7], $0x400, s6, $0x10   }
0xa6: {  	[hbm:s24@s8], [sflag:s21] =	dma.strided [spmem:s4@s7], $0x400, s6, $0x10   }
0xa7: {  	[hbm:s25@s8], [sflag:s21] =	dma.strided [spmem:s4@s7], $0x400, s6, $0x10   }
0xa8: {  	[hbm:s26@s8], [sflag:s21] =	dma.strided [spmem:s4@s7], $0x400, s6, $0x10   }
0xa9: {  	[hbm:s28@s8], [sflag:s21] =	dma.strided [spmem:s4@s7], $0x400, s6, $0x10   }
0xaa: {  	[hbm:s29@s8], [sflag:s21] =	dma.strided [spmem:s4@s7], $0x400, s6, $0x10   }
0xab: {  	[hbm:s2@s8], [sflag:s21] =	dma.strided [spmem:s4@s7], $0x400, s6, $0x10   }
0xac: {  	_ =	swait.ge [sflag:s21], $0x400  }
0xad: {  	[sflag:s21] =	ssyncset.done $0x0  }
0xae: {  	[sflag:s21] =	ssyncadd.s32 $0xFFFFFC00;
	_ =	sdelay $0x2  }
0xaf: {  	_ =	swait.ge [sflag:s21], $0x400  }
0xb0: {  	[sflag:s21] =	ssyncset.done $0x0  }
0xb1: {  	[sflag:s21] =	ssyncadd.s32 $0xFFFFFC00;
	_ =	sdelay $0x2  }
0xb2: {  	_ =	swait.ge [sflag:s21], $0x400  }
0xb3: {  	[sflag:s21] =	ssyncset.done $0x0  }
0xb4: {  	[sflag:s21] =	ssyncadd.s32 $0xFFFFFC00;
	_ =	sdelay $0x2  }
0xb5: {  	_ =	swait.ge [sflag:s21], $0x400  }
0xb6: {  	[sflag:s21] =	ssyncset.done $0x0  }
0xb7: {  	[sflag:s21] =	ssyncadd.s32 $0xFFFFFC00;
	_ =	sdelay $0x2  }
0xb8: {  	_ =	swait.ge [sflag:s21], $0x400  }
0xb9: {  	[sflag:s21] =	ssyncset.done $0x0  }
0xba: {  	[sflag:s21] =	ssyncadd.s32 $0xFFFFFC00;
	_ =	sdelay $0x2  }
0xbb: {  	_ =	swait.ge [sflag:s21], $0x400  }
0xbc: {  	[sflag:s21] =	ssyncset.done $0x0  }
0xbd: {  	[sflag:s21] =	ssyncadd.s32 $0xFFFFFC00;
	_ =	sdelay $0x2  }
0xbe: {  	_ =	swait.ge [sflag:s21], $0x400  }
0xbf: {  	[sflag:s21] =	ssyncset.done $0x0  }
0xc0: {  	[sflag:s21] =	ssyncadd.s32 $0xFFFFFC00;
	_ =	sdelay $0x2  }
0xc1: {  	_ =	swait.ge [sflag:s21], $0x400  }
0xc2: {  	[sflag:s21] =	ssyncset.done $0x0  }
0xc3: {  	[sflag:s21] =	ssyncadd.s32 $0xFFFFFC00;
	_ =	sdelay $0x2  }
0xc4: {  	_ =	swait.ge [sflag:s21], $0x400  }
0xc5: {  	[sflag:s21] =	ssyncset.done $0x0  }
0xc6: {  	[sflag:s21] =	ssyncadd.s32 $0xFFFFFC00;
	_ =	sdelay $0x2  }
0xc7: {  	_ =	swait.ge [sflag:s21], $0x400  }
0xc8: {  	[sflag:s21] =	ssyncset.done $0x0  }
0xc9: {  	[sflag:s21] =	ssyncadd.s32 $0xFFFFFC00  }
0xca: {  	_ =	strace $0x90000046  }
0xcb: {  	_ =	sfence  }
0xcc: {  	s30 =	sld [smem:$0x0];
	_ =	sdelay $0x2  }
0xcd: {  	s31 =	sshll.u32 s1, $0xD;
	s1 =	sshrl.u32 s1, $0x2  }
0xce: {  	s3 =	sand.u32 $0x4000, s31;
	s1 =	sadd.s32 s1, s30  }
0xcf: {  	s0 =	sor.u32 s3, s0;
	s1 =	sshll.u32 s1, $0x11  }
0xd0: {  	s0 =	sor.u32 s1, s0  }
0xd1: {  	s0 =	sadd.s32 $0x8F2B, s0;
	(pc) =	sbr.abs _section_cstart, $3  }
0xd2: {  	[sflag:s0] =	ssyncadd.remote.s32 $0x1  }
0xd3: {  	_ =	strace $0x9FFFFFFF  }
0xd4: {  	(tm) =	ssettm $0x7FFFFFFF  }
0xd5: {  	_ =	shalt  }

</sc_bundles>
